<compile_context>
chip_gen: v7x
topology: tpu7x:2x2x1
jax: 0.10.2.dev20260603
libtpu: 0.0.44.dev20260713+nightly
codegen_flags: <defaults>
</compile_context>

<pallas_src>
import functools

import jax
import jax.numpy as jnp
from jax import lax
from jax.experimental import pallas as pl
from jax.experimental.pallas import tpu as pltpu
from jax.experimental.pallas import tpu_sc as plsc

_NUM_CLASSES = 100000
_NUM_FEATURES = 64
_BATCH = 1024
_CLS = 2000
_NBLK = _NUM_CLASSES // _CLS
_LN2 = 0.6931471805599453
_SCALE = 20.0 * 1.4426950408889634


def _gather_target_rows(bank2, idx):
    info = plsc.get_sparse_core_info()
    nw = info.num_cores * info.num_subcores
    b_per_w = _BATCH // nw
    mesh = plsc.VectorSubcoreMesh(core_axis_name="c", subcore_axis_name="s")

    @functools.partial(
        pl.kernel, mesh=mesh,
        out_type=jax.ShapeDtypeStruct((_BATCH, 2 * _NUM_FEATURES), jnp.float32),
        scratch_types=[
            pltpu.VMEM((b_per_w,), jnp.int32),
            pltpu.VMEM((b_per_w, 2 * _NUM_FEATURES), jnp.float32),
            pltpu.SemaphoreType.DMA,
        ],
    )
    def k(table_hbm, idx_hbm, out_hbm, idx_v, rows_v, sem):
        wid = lax.axis_index("s") * info.num_cores + lax.axis_index("c")
        base = wid * b_per_w
        pltpu.sync_copy(idx_hbm.at[pl.ds(base, b_per_w)], idx_v)
        pltpu.async_copy(table_hbm.at[idx_v], rows_v, sem).wait()
        pltpu.sync_copy(rows_v, out_hbm.at[pl.ds(base, b_per_w)])

    return k(bank2, idx)


def _compute_logits(bank_ref, ni, lbuf_ref):
    bank = bank_ref[...].astype(jnp.bfloat16)
    dn = (((1,), (1,)), ((), ()))
    blk = _CLS // 2
    lbuf_ref[:blk, :] = lax.dot_general(
        bank[:, :_NUM_FEATURES], ni, dn,
        preferred_element_type=jnp.float32).astype(jnp.bfloat16)
    lbuf_ref[blk:, :] = lax.dot_general(
        bank[:, _NUM_FEATURES:], ni, dn,
        preferred_element_type=jnp.float32).astype(jnp.bfloat16)


def _reduce_block(lbuf_ref, ones, m_ref, s_ref):
    l = lbuf_ref[...]
    m_old = m_ref[...]
    m_new = jnp.maximum(m_old, jnp.max(l, axis=0, keepdims=True))
    p = jnp.exp2(l - m_new)
    psum = lax.dot_general(ones, p, (((1,), (0,)), ((), ())),
                           preferred_element_type=jnp.float32)
    scale = jnp.exp2(m_old - m_new).astype(jnp.float32)
    s_ref[...] = s_ref[...] * scale + psum
    m_ref[...] = m_new


def _loss_kernel(x_ref, bank_ref, rows_ref, par_ref, out_ref,
                 ni_ref, m_ref, s_ref, l0_ref, l1_ref):
    j = pl.program_id(0)
    ones = jnp.ones((1, _CLS), jnp.bfloat16)

    @pl.when(j == 0)
    def _init():
        x = x_ref[...]
        nrm = jnp.sqrt(jnp.sum(x * x, axis=1, keepdims=True))
        ni_ref[...] = (x * (_SCALE / jnp.maximum(nrm, 1e-12))).astype(jnp.bfloat16)
        m_ref[...] = jnp.full((1, _BATCH), -1e30, jnp.bfloat16)
        s_ref[...] = jnp.zeros((1, _BATCH), jnp.float32)
        l1_ref[...] = jnp.full((_CLS, _BATCH), -3e30, jnp.bfloat16)

    @pl.when(j % 2 == 0)
    def _even():
        _compute_logits(bank_ref, ni_ref[...], l0_ref)
        _reduce_block(l1_ref, ones, m_ref, s_ref)

    @pl.when(j % 2 == 1)
    def _odd():
        _compute_logits(bank_ref, ni_ref[...], l1_ref)
        _reduce_block(l0_ref, ones, m_ref, s_ref)

    @pl.when(j == _NBLK)
    def _fin():
        lse_sum = jnp.sum(m_ref[...].astype(jnp.float32) + jnp.log2(s_ref[...]))
        odd = par_ref[...] != 0
        row = jnp.where(odd, rows_ref[:, _NUM_FEATURES:],
                        rows_ref[:, :_NUM_FEATURES])
        tgt_sum = jnp.sum(row * ni_ref[...].astype(jnp.float32))
        out_ref[0, 0] = (lse_sum - tgt_sum) * (_LN2 / _BATCH)


def kernel(inputs, targets, features_bank):
    tgt = targets.astype(jnp.int32)
    bank2 = features_bank.reshape(_NUM_CLASSES // 2, 2 * _NUM_FEATURES)
    rows = _gather_target_rows(bank2, tgt // 2)
    loss = pl.pallas_call(
        _loss_kernel,
        grid=(_NBLK + 1,),
        in_specs=[
            pl.BlockSpec((_BATCH, _NUM_FEATURES), lambda j: (0, 0)),
            pl.BlockSpec((_CLS // 2, 2 * _NUM_FEATURES),
                         lambda j: (jnp.minimum(j, _NBLK - 1), 0)),
            pl.BlockSpec((_BATCH, 2 * _NUM_FEATURES), lambda j: (0, 0)),
            pl.BlockSpec((_BATCH, 1), lambda j: (0, 0)),
        ],
        out_specs=pl.BlockSpec(memory_space=pltpu.SMEM),
        out_shape=jax.ShapeDtypeStruct((1, 1), jnp.float32),
        scratch_shapes=[
            pltpu.VMEM((_BATCH, _NUM_FEATURES), jnp.bfloat16),
            pltpu.VMEM((1, _BATCH), jnp.bfloat16),
            pltpu.VMEM((1, _BATCH), jnp.float32),
            pltpu.VMEM((_CLS, _BATCH), jnp.bfloat16),
            pltpu.VMEM((_CLS, _BATCH), jnp.bfloat16),
        ],
    )(inputs, bank2, rows, (tgt % 2).reshape(_BATCH, 1))
    return loss[0, 0]

# --- scband reference (transcript-rebuilt; emitter-appended) ---
"""Pipeline reference for scband-memory-bank-88622355186298 (READ-ONLY COPY).

The authoritative reference and input builder live on the scoring server;
editing this copy changes nothing except your own understanding.
"""

import jax, jax.numpy as jnp
import numpy as np

NUM_FEATURES = 64
NUM_CLASSES = 100000
TEMP = 0.05
MOMENTUM = 0.01


def setup_inputs(seed: int = 0) -> dict:
    key = jax.random.key(seed)
    k1, k2, k3 = jax.random.split(key, 3)
    inputs = jax.random.normal(k1, (1024, NUM_FEATURES), dtype=jnp.float32)
    targets = jax.random.randint(k2, (1024,), 0, NUM_CLASSES, dtype=jnp.int64) if jax.config.jax_enable_x64 else jax.random.randint(k2, (1024,), 0, NUM_CLASSES, dtype=jnp.int32)
    features_bank = jax.random.normal(k3, (NUM_CLASSES, NUM_FEATURES), dtype=jnp.float32)
    return {"inputs": inputs, "targets": targets, "features_bank": features_bank}


def reference(inputs, targets, features_bank):
    # F.normalize(inputs, dim=1)
    norm = jnp.linalg.norm(inputs, axis=1, keepdims=True)
    norm_inputs = inputs / jnp.maximum(norm, 1e-12)
    # Memory.forward: inputs @ features.T
    outputs = norm_inputs @ features_bank.T
    outputs = outputs / TEMP
    # F.cross_entropy(outputs, targets) with mean reduction
    lse = jax.nn.logsumexp(outputs, axis=1)
    tgt_logits = jnp.take_along_axis(outputs, targets[:, None], axis=1)[:, 0]
    loss = jnp.mean(lse - tgt_logits)
    return loss

if __name__ == "__main__":
    import jax
    _d = setup_inputs()
    print(jax.jit(kernel)(*tuple(_d.values())))

</pallas_src>

<mosaic_0001>
#map = affine_map<(d0, d1) -> (0, 0)>
#map1 = affine_map<(d0, d1) -> (0)>
module attributes {stable_mosaic.version = 14 : i64} {
  func.func @k(%arg0: i32, %arg1: i32, %arg2: memref<50000x128xf32, #tpu.memory_space<hbm>>, %arg3: memref<1024xi32, #tpu.memory_space<hbm>>, %arg4: memref<1024x128xf32, #tpu.memory_space<hbm>>, %arg5: memref<32xi32, #tpu.memory_space<vmem>>, %arg6: memref<32x128xf32, #tpu.memory_space<vmem>>, %arg7: memref<!tpu.dma_semaphore, #tpu.memory_space<semaphore_mem>>) attributes {dimension_semantics = [#tpu.dimension_semantics<core_parallel>, #tpu.dimension_semantics<subcore_parallel>], iteration_bounds = array<i64: 2, 16>, scalar_prefetch = 0 : i64, scratch_operands = 3 : i64, tpu.core_type = #tpu.core_type<sc_vector_subcore>, window_params = [{transform_indices = #map}, {transform_indices = #map1}, {transform_indices = #map}]} {
    %mul3A = arith.constant 2 : i32
    %mul3A_0 = arith.muli %arg1, %mul3A : i32
    %add3A = arith.addi %mul3A_0, %arg0 : i32
    %mul3A_1 = arith.constant 32 : i32
    %mul3A_2 = arith.muli %add3A, %mul3A_1 : i32
    "tpu.region"() ({
      %run_scoped3A = tpu.sem_alloc : memref<!tpu.dma_semaphore, #tpu.memory_space<semaphore_mem>>
      %dma_start3A_7 = tpu.memref_slice %arg3[%mul3A_2] : memref<1024xi32, #tpu.memory_space<hbm>> -> memref<32xi32, #tpu.memory_space<hbm>>
      %dma_start3A_8 = tpu.memref_slice %arg3[%mul3A_2] : memref<1024xi32, #tpu.memory_space<hbm>> -> memref<32xi32, #tpu.memory_space<hbm>>
      tpu.enqueue_dma source(%dma_start3A_8 : memref<32xi32, #tpu.memory_space<hbm>>) target(%arg5 : memref<32xi32, #tpu.memory_space<vmem>>) target_semaphore(%run_scoped3A : memref<!tpu.dma_semaphore, #tpu.memory_space<semaphore_mem>>)
      %dma_wait3A_9 = tpu.memref_slice %arg3[%mul3A_2] : memref<1024xi32, #tpu.memory_space<hbm>> -> memref<32xi32, #tpu.memory_space<hbm>>
      %dma_wait3A_10 = tpu.memref_slice %arg3[%mul3A_2] : memref<1024xi32, #tpu.memory_space<hbm>> -> memref<32xi32, #tpu.memory_space<hbm>>
      tpu.wait_dma2 semaphore(%run_scoped3A : memref<!tpu.dma_semaphore, #tpu.memory_space<semaphore_mem>>) src(%dma_wait3A_10 : memref<32xi32, #tpu.memory_space<hbm>>) dst(%arg5 : memref<32xi32, #tpu.memory_space<vmem>>)
      tpu.yield
    }) : () -> ()
    %dma_start3A = arith.constant 0 : i32
    %dma_start3A_3 = arith.constant 0 : i32
    %dma_start3A_4 = tpu.memref_slice %arg2[%dma_start3A, %dma_start3A_3] : memref<50000x128xf32, #tpu.memory_space<hbm>> -> memref<50000x128xf32, #tpu.memory_space<hbm>>
    tpu.enqueue_indirect_dma source(%dma_start3A_4 : memref<50000x128xf32, #tpu.memory_space<hbm>>) target(%arg6 : memref<32x128xf32, #tpu.memory_space<vmem>>) offsets(%arg5 : memref<32xi32, #tpu.memory_space<vmem>>) semaphore(%arg7 : memref<!tpu.dma_semaphore, #tpu.memory_space<semaphore_mem>>)
    %dma_wait3A = arith.constant 0 : i32
    %dma_wait3A_5 = arith.constant 0 : i32
    %dma_wait3A_6 = tpu.memref_slice %arg2[%dma_wait3A, %dma_wait3A_5] : memref<50000x128xf32, #tpu.memory_space<hbm>> -> memref<50000x128xf32, #tpu.memory_space<hbm>>
    tpu.wait_indirect_dma semaphore(%arg7 : memref<!tpu.dma_semaphore, #tpu.memory_space<semaphore_mem>>) src(%dma_wait3A_6 : memref<50000x128xf32, #tpu.memory_space<hbm>>) dst(%arg6 : memref<32x128xf32, #tpu.memory_space<vmem>>)
    "tpu.region"() ({
      %run_scoped3A = tpu.sem_alloc : memref<!tpu.dma_semaphore, #tpu.memory_space<semaphore_mem>>
      %dma_start3A_7 = arith.constant 0 : i32
      %dma_start3A_8 = tpu.memref_slice %arg4[%mul3A_2, %dma_start3A_7] : memref<1024x128xf32, #tpu.memory_space<hbm>> -> memref<32x128xf32, #tpu.memory_space<hbm>>
      %dma_start3A_9 = arith.constant 0 : i32
      %dma_start3A_10 = tpu.memref_slice %arg4[%mul3A_2, %dma_start3A_9] : memref<1024x128xf32, #tpu.memory_space<hbm>> -> memref<32x128xf32, #tpu.memory_space<hbm>>
      tpu.enqueue_dma source(%arg6 : memref<32x128xf32, #tpu.memory_space<vmem>>) target(%dma_start3A_10 : memref<32x128xf32, #tpu.memory_space<hbm>>) target_semaphore(%run_scoped3A : memref<!tpu.dma_semaphore, #tpu.memory_space<semaphore_mem>>)
      %dma_wait3A_11 = arith.constant 0 : i32
      %dma_wait3A_12 = tpu.memref_slice %arg4[%mul3A_2, %dma_wait3A_11] : memref<1024x128xf32, #tpu.memory_space<hbm>> -> memref<32x128xf32, #tpu.memory_space<hbm>>
      %dma_wait3A_13 = arith.constant 0 : i32
      %dma_wait3A_14 = tpu.memref_slice %arg4[%mul3A_2, %dma_wait3A_13] : memref<1024x128xf32, #tpu.memory_space<hbm>> -> memref<32x128xf32, #tpu.memory_space<hbm>>
      tpu.wait_dma2 semaphore(%run_scoped3A : memref<!tpu.dma_semaphore, #tpu.memory_space<semaphore_mem>>) src(%arg6 : memref<32x128xf32, #tpu.memory_space<vmem>>) dst(%dma_wait3A_14 : memref<32x128xf32, #tpu.memory_space<hbm>>)
      tpu.yield
    }) : () -> ()
    return
  }
}

module attributes {stable_mosaic.version = 14 : i64} {
  func.func @_loss_kernel(%arg0: i32, %arg1: memref<1024x64xf32, #tpu.memory_space<vmem>>, %arg2: memref<1000x128xf32, #tpu.memory_space<vmem>>, %arg3: memref<1024x128xf32, #tpu.memory_space<vmem>>, %arg4: memref<1024x1xi32, #tpu.memory_space<vmem>>, %arg5: memref<1x1xf32, #tpu.memory_space<smem>>, %arg6: memref<1024x64xbf16, #tpu.memory_space<vmem>>, %arg7: memref<1x1024xbf16, #tpu.memory_space<vmem>>, %arg8: memref<1x1024xf32, #tpu.memory_space<vmem>>, %arg9: memref<2000x1024xbf16, #tpu.memory_space<vmem>>, %arg10: memref<2000x1024xbf16, #tpu.memory_space<vmem>>) attributes {dimension_semantics = [#tpu.dimension_semantics<arbitrary>], iteration_bounds = array<i64: 51>, scalar_prefetch = 0 : i64, scratch_operands = 5 : i64, tpu.core_type = #tpu.core_type<tc>, window_params = [{pipeline_mode = #tpu.pipeline_mode<synchronous>, transform_indices = @transform_0, window_bounds = array<i64: 1024, 64>}, {transform_indices = @transform_1, window_bounds = array<i64: 1000, 128>}, {pipeline_mode = #tpu.pipeline_mode<synchronous>, transform_indices = @transform_2, window_bounds = array<i64: 1024, 128>}, {pipeline_mode = #tpu.pipeline_mode<synchronous>, transform_indices = @transform_3, window_bounds = array<i64: 1024, 1>}, {transform_indices = @transform_4, window_bounds = array<i64: 1, 1>}]} {
    %broadcast_in_dim3A = arith.constant 1.000000e+00 : bf16
    %broadcast_in_dim3A_0 = vector.broadcast %broadcast_in_dim3A : bf16 to vector<1x2000xbf16>
    %eq3A = arith.constant 0 : i32
    %eq3A_1 = arith.cmpi eq, %arg0, %eq3A : i32
    %convert_element_type3A = arith.extui %eq3A_1 : i1 to i32
    %cond3A = arith.constant 0 : i32
    %cond3A_2 = arith.cmpi ne, %convert_element_type3A, %cond3A : i32
    scf.if %cond3A_2 {
      %get3A = arith.constant 0 : index
      %get3A_43 = arith.constant 0 : index
      %get3A_44 = vector.load %arg1[%get3A, %get3A_43] : memref<1024x64xf32, #tpu.memory_space<vmem>>, vector<1024x64xf32>
      %mul3A = arith.mulf %get3A_44, %get3A_44 : vector<1024x64xf32>
      %reduce_sum3A = arith.constant dense<0.000000e+00> : vector<1024xf32>
      %reduce_sum3A_45 = vector.multi_reduction <add>, %mul3A, %reduce_sum3A [1] : vector<1024x64xf32> to vector<1024xf32>
      %broadcast_in_dim3A_46 = vector.shape_cast %reduce_sum3A_45 : vector<1024xf32> to vector<1024x1xf32>
      %sqrt3A = math.sqrt %broadcast_in_dim3A_46 : vector<1024x1xf32>
      %max3A = arith.constant 9.99999996E-13 : f32
      %max3A_47 = vector.broadcast %max3A : f32 to vector<1024x1xf32>
      %max3A_48 = arith.maximumf %sqrt3A, %max3A_47 : vector<1024x1xf32>
      %div3A = arith.constant 2.885390e+01 : f32
      %div3A_49 = vector.broadcast %div3A : f32 to vector<1024x1xf32>
      %div3A_50 = arith.divf %div3A_49, %max3A_48 : vector<1024x1xf32>
      %mul3A_51 = vector.broadcast %div3A_50 : vector<1024x1xf32> to vector<1024x64xf32>
      %mul3A_52 = arith.mulf %get3A_44, %mul3A_51 : vector<1024x64xf32>
      %convert_element_type3A_53 = arith.truncf %mul3A_52 : vector<1024x64xf32> to vector<1024x64xbf16>
      %swap3A = arith.constant 0 : index
      %swap3A_54 = arith.constant 0 : index
      %swap3A_55 = vector.load %arg6[%swap3A, %swap3A_54] : memref<1024x64xbf16, #tpu.memory_space<vmem>>, vector<1024x64xbf16>
      tpu.vector_store %arg6[%swap3A, %swap3A_54], %convert_element_type3A_53 {strides = array<i32>} : memref<1024x64xbf16, #tpu.memory_space<vmem>>, vector<1024x64xbf16>,
      %broadcast_in_dim3A_56 = arith.constant -1.000260e+30 : bf16
      %broadcast_in_dim3A_57 = vector.broadcast %broadcast_in_dim3A_56 : bf16 to vector<1x1024xbf16>
      %swap3A_58 = arith.constant 0 : index
      %swap3A_59 = arith.constant 0 : index
      %swap3A_60 = vector.load %arg7[%swap3A_58, %swap3A_59] : memref<1x1024xbf16, #tpu.memory_space<vmem>>, vector<1x1024xbf16>
      tpu.vector_store %arg7[%swap3A_58, %swap3A_59], %broadcast_in_dim3A_57 {strides = array<i32>} : memref<1x1024xbf16, #tpu.memory_space<vmem>>, vector<1x1024xbf16>,
      %broadcast_in_dim3A_61 = arith.constant 0.000000e+00 : f32
      %broadcast_in_dim3A_62 = vector.broadcast %broadcast_in_dim3A_61 : f32 to vector<1x1024xf32>
      %swap3A_63 = arith.constant 0 : index
      %swap3A_64 = arith.constant 0 : index
      %swap3A_65 = vector.load %arg8[%swap3A_63, %swap3A_64] : memref<1x1024xf32, #tpu.memory_space<vmem>>, vector<1x1024xf32>
      tpu.vector_store %arg8[%swap3A_63, %swap3A_64], %broadcast_in_dim3A_62 {strides = array<i32>} : memref<1x1024xf32, #tpu.memory_space<vmem>>, vector<1x1024xf32>,
      %broadcast_in_dim3A_66 = arith.constant -2.990860e+30 : bf16
      %broadcast_in_dim3A_67 = vector.broadcast %broadcast_in_dim3A_66 : bf16 to vector<2000x1024xbf16>
      %swap3A_68 = arith.constant 0 : index
      %swap3A_69 = arith.constant 0 : index
      %swap3A_70 = vector.load %arg10[%swap3A_68, %swap3A_69] : memref<2000x1024xbf16, #tpu.memory_space<vmem>>, vector<2000x1024xbf16>
      tpu.vector_store %arg10[%swap3A_68, %swap3A_69], %broadcast_in_dim3A_67 {strides = array<i32>} : memref<2000x1024xbf16, #tpu.memory_space<vmem>>, vector<2000x1024xbf16>,
    } else {
    }
    %jit3A = arith.constant 2 : i32
    %eq3A_3 = arith.constant 0 : i32
    %eq3A_4 = arith.cmpi eq, %jit3A, %eq3A_3 : i32
    %jit3A_5 = arith.constant 1 : i32
    %select_n3A = arith.select %eq3A_4, %jit3A_5, %jit3A : i32
    %rem3A = arith.remsi %arg0, %select_n3A : i32
    %ne3A = arith.constant 0 : i32
    %ne3A_6 = arith.cmpi ne, %rem3A, %ne3A : i32
    %lt3A = arith.constant 0 : i32
    %lt3A_7 = arith.cmpi slt, %rem3A, %lt3A : i32
    %lt3A_8 = arith.constant 0 : i32
    %lt3A_9 = arith.cmpi slt, %select_n3A, %lt3A_8 : i32
    %ne3A_10 = arith.xori %lt3A_7, %lt3A_9 : i1
    %and3A = arith.andi %ne3A_10, %ne3A_6 : i1
    %add3A = arith.addi %rem3A, %select_n3A : i32
    %select_n3A_11 = arith.select %and3A, %add3A, %rem3A : i32
    %eq3A_12 = arith.constant 0 : i32
    %eq3A_13 = arith.cmpi eq, %select_n3A_11, %eq3A_12 : i32
    %convert_element_type3A_14 = arith.extui %eq3A_13 : i1 to i32
    %cond3A_15 = arith.constant 0 : i32
    %cond3A_16 = arith.cmpi ne, %convert_element_type3A_14, %cond3A_15 : i32
    scf.if %cond3A_16 {
      %get3A = arith.constant 0 : index
      %get3A_43 = arith.constant 0 : index
      %get3A_44 = vector.load %arg6[%get3A, %get3A_43] : memref<1024x64xbf16, #tpu.memory_space<vmem>>, vector<1024x64xbf16>
      %get3A_45 = arith.constant 0 : index
      %get3A_46 = arith.constant 0 : index
      %get3A_47 = vector.load %arg2[%get3A_45, %get3A_46] : memref<1000x128xf32, #tpu.memory_space<vmem>>, vector<1000x128xf32>
      %convert_element_type3A_48 = arith.truncf %get3A_47 : vector<1000x128xf32> to vector<1000x128xbf16>
      %slice3A = vector.extract_strided_slice %convert_element_type3A_48 {offsets = [0, 0], sizes = [1000, 64], strides = [1, 1]} : vector<1000x128xbf16> to vector<1000x64xbf16>
      %dot_general3A = arith.constant dense<0.000000e+00> : vector<1000x1024xf32>
      %dot_general3A_49 = tpu.matmul %slice3A, %get3A_44, %dot_general3A {dimension_numbers = #tpu.dot_dimension_numbers<[1], [1], [0], [0], [0, 0, 1, 0], [], []>, transpose_lhs_hint = false} : vector<1000x64xbf16>, vector<1024x64xbf16>, vector<1000x1024xf32> -> vector<1000x1024xf32>
      %convert_element_type3A_50 = arith.truncf %dot_general3A_49 : vector<1000x1024xf32> to vector<1000x1024xbf16>
      %swap3A = arith.constant 0 : index
      %swap3A_51 = arith.constant 0 : index
      %swap3A_52 = vector.load %arg9[%swap3A, %swap3A_51] : memref<2000x1024xbf16, #tpu.memory_space<vmem>>, vector<1000x1024xbf16>
      tpu.vector_store %arg9[%swap3A, %swap3A_51], %convert_element_type3A_50 {strides = array<i32>} : memref<2000x1024xbf16, #tpu.memory_space<vmem>>, vector<1000x1024xbf16>,
      %slice3A_53 = vector.extract_strided_slice %convert_element_type3A_48 {offsets = [0, 64], sizes = [1000, 64], strides = [1, 1]} : vector<1000x128xbf16> to vector<1000x64xbf16>
      %dot_general3A_54 = arith.constant dense<0.000000e+00> : vector<1000x1024xf32>
      %dot_general3A_55 = tpu.matmul %slice3A_53, %get3A_44, %dot_general3A_54 {dimension_numbers = #tpu.dot_dimension_numbers<[1], [1], [0], [0], [0, 0, 1, 0], [], []>, transpose_lhs_hint = false} : vector<1000x64xbf16>, vector<1024x64xbf16>, vector<1000x1024xf32> -> vector<1000x1024xf32>
      %convert_element_type3A_56 = arith.truncf %dot_general3A_55 : vector<1000x1024xf32> to vector<1000x1024xbf16>
      %swap3A_57 = arith.constant 1000 : index
      %swap3A_58 = arith.constant 0 : index
      %swap3A_59 = vector.load %arg9[%swap3A_57, %swap3A_58] : memref<2000x1024xbf16, #tpu.memory_space<vmem>>, vector<1000x1024xbf16>
      tpu.vector_store %arg9[%swap3A_57, %swap3A_58], %convert_element_type3A_56 {strides = array<i32>} : memref<2000x1024xbf16, #tpu.memory_space<vmem>>, vector<1000x1024xbf16>,
      %get3A_60 = arith.constant 0 : index
      %get3A_61 = arith.constant 0 : index
      %get3A_62 = vector.load %arg10[%get3A_60, %get3A_61] : memref<2000x1024xbf16, #tpu.memory_space<vmem>>, vector<2000x1024xbf16>
      %get3A_63 = arith.constant 0 : index
      %get3A_64 = arith.constant 0 : index
      %get3A_65 = vector.load %arg7[%get3A_63, %get3A_64] : memref<1x1024xbf16, #tpu.memory_space<vmem>>, vector<1x1024xbf16>
      %reduce_max3A = arith.constant dense<0xFF80> : vector<1024xbf16>
      %reduce_max3A_66 = vector.multi_reduction <maximumf>, %get3A_62, %reduce_max3A [0] : vector<2000x1024xbf16> to vector<1024xbf16>
      %broadcast_in_dim3A_67 = vector.shape_cast %reduce_max3A_66 : vector<1024xbf16> to vector<1x1024xbf16>
      %max3A = arith.maximumf %get3A_65, %broadcast_in_dim3A_67 : vector<1x1024xbf16>
      %sub3A = vector.broadcast %max3A : vector<1x1024xbf16> to vector<2000x1024xbf16>
      %sub3A_68 = arith.subf %get3A_62, %sub3A : vector<2000x1024xbf16>
      %exp23A = math.exp2 %sub3A_68 : vector<2000x1024xbf16>
      %dot_general3A_69 = arith.constant dense<0.000000e+00> : vector<1x1024xf32>
      %dot_general3A_70 = tpu.matmul %broadcast_in_dim3A_0, %exp23A, %dot_general3A_69 {dimension_numbers = #tpu.dot_dimension_numbers<[1], [0], [0], [1], [0, 0, 1, 1], [], []>, transpose_lhs_hint = false} : vector<1x2000xbf16>, vector<2000x1024xbf16>, vector<1x1024xf32> -> vector<1x1024xf32>
      %sub3A_71 = arith.subf %get3A_65, %max3A : vector<1x1024xbf16>
      %exp23A_72 = math.exp2 %sub3A_71 : vector<1x1024xbf16>
      %convert_element_type3A_73 = arith.extf %exp23A_72 : vector<1x1024xbf16> to vector<1x1024xf32>
      %get3A_74 = arith.constant 0 : index
      %get3A_75 = arith.constant 0 : index
      %get3A_76 = vector.load %arg8[%get3A_74, %get3A_75] : memref<1x1024xf32, #tpu.memory_space<vmem>>, vector<1x1024xf32>
      %mul3A = arith.mulf %get3A_76, %convert_element_type3A_73 : vector<1x1024xf32>
      %add3A_77 = arith.addf %mul3A, %dot_general3A_70 : vector<1x1024xf32>
      %swap3A_78 = arith.constant 0 : index
      %swap3A_79 = arith.constant 0 : index
      %swap3A_80 = vector.load %arg8[%swap3A_78, %swap3A_79] : memref<1x1024xf32, #tpu.memory_space<vmem>>, vector<1x1024xf32>
      tpu.vector_store %arg8[%swap3A_78, %swap3A_79], %add3A_77 {strides = array<i32>} : memref<1x1024xf32, #tpu.memory_space<vmem>>, vector<1x1024xf32>,
      %swap3A_81 = arith.constant 0 : index
      %swap3A_82 = arith.constant 0 : index
      %swap3A_83 = vector.load %arg7[%swap3A_81, %swap3A_82] : memref<1x1024xbf16, #tpu.memory_space<vmem>>, vector<1x1024xbf16>
      tpu.vector_store %arg7[%swap3A_81, %swap3A_82], %max3A {strides = array<i32>} : memref<1x1024xbf16, #tpu.memory_space<vmem>>, vector<1x1024xbf16>,
    } else {
    }
    %jit3A_17 = arith.constant 2 : i32
    %eq3A_18 = arith.constant 0 : i32
    %eq3A_19 = arith.cmpi eq, %jit3A_17, %eq3A_18 : i32
    %jit3A_20 = arith.constant 1 : i32
    %select_n3A_21 = arith.select %eq3A_19, %jit3A_20, %jit3A_17 : i32
    %rem3A_22 = arith.remsi %arg0, %select_n3A_21 : i32
    %ne3A_23 = arith.constant 0 : i32
    %ne3A_24 = arith.cmpi ne, %rem3A_22, %ne3A_23 : i32
    %lt3A_25 = arith.constant 0 : i32
    %lt3A_26 = arith.cmpi slt, %rem3A_22, %lt3A_25 : i32
    %lt3A_27 = arith.constant 0 : i32
    %lt3A_28 = arith.cmpi slt, %select_n3A_21, %lt3A_27 : i32
    %ne3A_29 = arith.xori %lt3A_26, %lt3A_28 : i1
    %and3A_30 = arith.andi %ne3A_29, %ne3A_24 : i1
    %add3A_31 = arith.addi %rem3A_22, %select_n3A_21 : i32
    %select_n3A_32 = arith.select %and3A_30, %add3A_31, %rem3A_22 : i32
    %eq3A_33 = arith.constant 1 : i32
    %eq3A_34 = arith.cmpi eq, %select_n3A_32, %eq3A_33 : i32
    %convert_element_type3A_35 = arith.extui %eq3A_34 : i1 to i32
    %cond3A_36 = arith.constant 0 : i32
    %cond3A_37 = arith.cmpi ne, %convert_element_type3A_35, %cond3A_36 : i32
    scf.if %cond3A_37 {
      %get3A = arith.constant 0 : index
      %get3A_43 = arith.constant 0 : index
      %get3A_44 = vector.load %arg6[%get3A, %get3A_43] : memref<1024x64xbf16, #tpu.memory_space<vmem>>, vector<1024x64xbf16>
      %get3A_45 = arith.constant 0 : index
      %get3A_46 = arith.constant 0 : index
      %get3A_47 = vector.load %arg2[%get3A_45, %get3A_46] : memref<1000x128xf32, #tpu.memory_space<vmem>>, vector<1000x128xf32>
      %convert_element_type3A_48 = arith.truncf %get3A_47 : vector<1000x128xf32> to vector<1000x128xbf16>
      %slice3A = vector.extract_strided_slice %convert_element_type3A_48 {offsets = [0, 0], sizes = [1000, 64], strides = [1, 1]} : vector<1000x128xbf16> to vector<1000x64xbf16>
      %dot_general3A = arith.constant dense<0.000000e+00> : vector<1000x1024xf32>
      %dot_general3A_49 = tpu.matmul %slice3A, %get3A_44, %dot_general3A {dimension_numbers = #tpu.dot_dimension_numbers<[1], [1], [0], [0], [0, 0, 1, 0], [], []>, transpose_lhs_hint = false} : vector<1000x64xbf16>, vector<1024x64xbf16>, vector<1000x1024xf32> -> vector<1000x1024xf32>
      %convert_element_type3A_50 = arith.truncf %dot_general3A_49 : vector<1000x1024xf32> to vector<1000x1024xbf16>
      %swap3A = arith.constant 0 : index
      %swap3A_51 = arith.constant 0 : index
      %swap3A_52 = vector.load %arg10[%swap3A, %swap3A_51] : memref<2000x1024xbf16, #tpu.memory_space<vmem>>, vector<1000x1024xbf16>
      tpu.vector_store %arg10[%swap3A, %swap3A_51], %convert_element_type3A_50 {strides = array<i32>} : memref<2000x1024xbf16, #tpu.memory_space<vmem>>, vector<1000x1024xbf16>,
      %slice3A_53 = vector.extract_strided_slice %convert_element_type3A_48 {offsets = [0, 64], sizes = [1000, 64], strides = [1, 1]} : vector<1000x128xbf16> to vector<1000x64xbf16>
      %dot_general3A_54 = arith.constant dense<0.000000e+00> : vector<1000x1024xf32>
      %dot_general3A_55 = tpu.matmul %slice3A_53, %get3A_44, %dot_general3A_54 {dimension_numbers = #tpu.dot_dimension_numbers<[1], [1], [0], [0], [0, 0, 1, 0], [], []>, transpose_lhs_hint = false} : vector<1000x64xbf16>, vector<1024x64xbf16>, vector<1000x1024xf32> -> vector<1000x1024xf32>
      %convert_element_type3A_56 = arith.truncf %dot_general3A_55 : vector<1000x1024xf32> to vector<1000x1024xbf16>
      %swap3A_57 = arith.constant 1000 : index
      %swap3A_58 = arith.constant 0 : index
      %swap3A_59 = vector.load %arg10[%swap3A_57, %swap3A_58] : memref<2000x1024xbf16, #tpu.memory_space<vmem>>, vector<1000x1024xbf16>
      tpu.vector_store %arg10[%swap3A_57, %swap3A_58], %convert_element_type3A_56 {strides = array<i32>} : memref<2000x1024xbf16, #tpu.memory_space<vmem>>, vector<1000x1024xbf16>,
      %get3A_60 = arith.constant 0 : index
      %get3A_61 = arith.constant 0 : index
      %get3A_62 = vector.load %arg9[%get3A_60, %get3A_61] : memref<2000x1024xbf16, #tpu.memory_space<vmem>>, vector<2000x1024xbf16>
      %get3A_63 = arith.constant 0 : index
      %get3A_64 = arith.constant 0 : index
      %get3A_65 = vector.load %arg7[%get3A_63, %get3A_64] : memref<1x1024xbf16, #tpu.memory_space<vmem>>, vector<1x1024xbf16>
      %reduce_max3A = arith.constant dense<0xFF80> : vector<1024xbf16>
      %reduce_max3A_66 = vector.multi_reduction <maximumf>, %get3A_62, %reduce_max3A [0] : vector<2000x1024xbf16> to vector<1024xbf16>
      %broadcast_in_dim3A_67 = vector.shape_cast %reduce_max3A_66 : vector<1024xbf16> to vector<1x1024xbf16>
      %max3A = arith.maximumf %get3A_65, %broadcast_in_dim3A_67 : vector<1x1024xbf16>
      %sub3A = vector.broadcast %max3A : vector<1x1024xbf16> to vector<2000x1024xbf16>
      %sub3A_68 = arith.subf %get3A_62, %sub3A : vector<2000x1024xbf16>
      %exp23A = math.exp2 %sub3A_68 : vector<2000x1024xbf16>
      %dot_general3A_69 = arith.constant dense<0.000000e+00> : vector<1x1024xf32>
      %dot_general3A_70 = tpu.matmul %broadcast_in_dim3A_0, %exp23A, %dot_general3A_69 {dimension_numbers = #tpu.dot_dimension_numbers<[1], [0], [0], [1], [0, 0, 1, 1], [], []>, transpose_lhs_hint = false} : vector<1x2000xbf16>, vector<2000x1024xbf16>, vector<1x1024xf32> -> vector<1x1024xf32>
      %sub3A_71 = arith.subf %get3A_65, %max3A : vector<1x1024xbf16>
      %exp23A_72 = math.exp2 %sub3A_71 : vector<1x1024xbf16>
      %convert_element_type3A_73 = arith.extf %exp23A_72 : vector<1x1024xbf16> to vector<1x1024xf32>
      %get3A_74 = arith.constant 0 : index
      %get3A_75 = arith.constant 0 : index
      %get3A_76 = vector.load %arg8[%get3A_74, %get3A_75] : memref<1x1024xf32, #tpu.memory_space<vmem>>, vector<1x1024xf32>
      %mul3A = arith.mulf %get3A_76, %convert_element_type3A_73 : vector<1x1024xf32>
      %add3A_77 = arith.addf %mul3A, %dot_general3A_70 : vector<1x1024xf32>
      %swap3A_78 = arith.constant 0 : index
      %swap3A_79 = arith.constant 0 : index
      %swap3A_80 = vector.load %arg8[%swap3A_78, %swap3A_79] : memref<1x1024xf32, #tpu.memory_space<vmem>>, vector<1x1024xf32>
      tpu.vector_store %arg8[%swap3A_78, %swap3A_79], %add3A_77 {strides = array<i32>} : memref<1x1024xf32, #tpu.memory_space<vmem>>, vector<1x1024xf32>,
      %swap3A_81 = arith.constant 0 : index
      %swap3A_82 = arith.constant 0 : index
      %swap3A_83 = vector.load %arg7[%swap3A_81, %swap3A_82] : memref<1x1024xbf16, #tpu.memory_space<vmem>>, vector<1x1024xbf16>
      tpu.vector_store %arg7[%swap3A_81, %swap3A_82], %max3A {strides = array<i32>} : memref<1x1024xbf16, #tpu.memory_space<vmem>>, vector<1x1024xbf16>,
    } else {
    }
    %eq3A_38 = arith.constant 50 : i32
    %eq3A_39 = arith.cmpi eq, %arg0, %eq3A_38 : i32
    %convert_element_type3A_40 = arith.extui %eq3A_39 : i1 to i32
    %cond3A_41 = arith.constant 0 : i32
    %cond3A_42 = arith.cmpi ne, %convert_element_type3A_40, %cond3A_41 : i32
    scf.if %cond3A_42 {
      %get3A = arith.constant 0 : index
      %get3A_43 = arith.constant 0 : index
      %get3A_44 = vector.load %arg7[%get3A, %get3A_43] : memref<1x1024xbf16, #tpu.memory_space<vmem>>, vector<1x1024xbf16>
      %convert_element_type3A_45 = arith.extf %get3A_44 : vector<1x1024xbf16> to vector<1x1024xf32>
      %get3A_46 = arith.constant 0 : index
      %get3A_47 = arith.constant 0 : index
      %get3A_48 = vector.load %arg8[%get3A_46, %get3A_47] : memref<1x1024xf32, #tpu.memory_space<vmem>>, vector<1x1024xf32>
      %log3A = math.log %get3A_48 : vector<1x1024xf32>
      %log3A_49 = arith.constant 2.000000e+00 : f32
      %log3A_50 = math.log %log3A_49 : f32
      %div3A = vector.broadcast %log3A_50 : f32 to vector<1x1024xf32>
      %div3A_51 = arith.divf %log3A, %div3A : vector<1x1024xf32>
      %add3A_52 = arith.addf %convert_element_type3A_45, %div3A_51 : vector<1x1024xf32>
      %reduce_sum3A = vector.shape_cast %add3A_52 : vector<1x1024xf32> to vector<1x1x1024xf32>
      %reduce_sum3A_53 = arith.constant dense<0.000000e+00> : vector<1xf32>
      %reduce_sum3A_54 = vector.multi_reduction <add>, %reduce_sum3A, %reduce_sum3A_53 [1, 2] : vector<1x1x1024xf32> to vector<1xf32>
      %reduce_sum3A_55 = vector.shape_cast %reduce_sum3A_54 : vector<1xf32> to vector<1x1x1xf32>
      %reduce_sum3A_56 = vector.extract %reduce_sum3A_55[0, 0, 0] : f32 from vector<1x1x1xf32>
      %get3A_57 = arith.constant 0 : index
      %get3A_58 = arith.constant 0 : index
      %get3A_59 = vector.load %arg4[%get3A_57, %get3A_58] : memref<1024x1xi32, #tpu.memory_space<vmem>>, vector<1024x1xi32>
      %ne3A_60 = arith.constant 0 : i32
      %ne3A_61 = vector.broadcast %ne3A_60 : i32 to vector<1024x1xi32>
      %ne3A_62 = arith.cmpi ne, %get3A_59, %ne3A_61 : vector<1024x1xi32>
      %get3A_63 = arith.constant 0 : index
      %get3A_64 = arith.constant 64 : index
      %get3A_65 = vector.load %arg3[%get3A_63, %get3A_64] : memref<1024x128xf32, #tpu.memory_space<vmem>>, vector<1024x64xf32>
      %get3A_66 = arith.constant 0 : index
      %get3A_67 = arith.constant 0 : index
      %get3A_68 = vector.load %arg3[%get3A_66, %get3A_67] : memref<1024x128xf32, #tpu.memory_space<vmem>>, vector<1024x64xf32>
      %broadcast_in_dim3A_69 = vector.shape_cast %ne3A_62 : vector<1024x1xi1> to vector<1024x1xi1>
      %broadcast_in_dim3A_70 = vector.broadcast %broadcast_in_dim3A_69 : vector<1024x1xi1> to vector<1024x64xi1>
      %select_n3A_71 = arith.select %broadcast_in_dim3A_70, %get3A_65, %get3A_68 : vector<1024x64xi1>, vector<1024x64xf32>
      %get3A_72 = arith.constant 0 : index
      %get3A_73 = arith.constant 0 : index
      %get3A_74 = vector.load %arg6[%get3A_72, %get3A_73] : memref<1024x64xbf16, #tpu.memory_space<vmem>>, vector<1024x64xbf16>
      %convert_element_type3A_75 = arith.extf %get3A_74 : vector<1024x64xbf16> to vector<1024x64xf32>
      %mul3A = arith.mulf %select_n3A_71, %convert_element_type3A_75 : vector<1024x64xf32>
      %reduce_sum3A_76 = vector.shape_cast %mul3A : vector<1024x64xf32> to vector<1x1024x64xf32>
      %reduce_sum3A_77 = arith.constant dense<0.000000e+00> : vector<1xf32>
      %reduce_sum3A_78 = vector.multi_reduction <add>, %reduce_sum3A_76, %reduce_sum3A_77 [1, 2] : vector<1x1024x64xf32> to vector<1xf32>
      %reduce_sum3A_79 = vector.shape_cast %reduce_sum3A_78 : vector<1xf32> to vector<1x1x1xf32>
      %reduce_sum3A_80 = vector.extract %reduce_sum3A_79[0, 0, 0] : f32 from vector<1x1x1xf32>
      %sub3A = arith.subf %reduce_sum3A_56, %reduce_sum3A_80 : f32
      %mul3A_81 = arith.constant 6.76901545E-4 : f32
      %mul3A_82 = arith.mulf %sub3A, %mul3A_81 : f32
      %swap3A = arith.constant 0 : index
      %swap3A_83 = arith.constant 0 : index
      %swap3A_84 = memref.load %arg5[%swap3A, %swap3A_83] : memref<1x1xf32, #tpu.memory_space<smem>>
      memref.store %mul3A_82, %arg5[%swap3A, %swap3A_83] : memref<1x1xf32, #tpu.memory_space<smem>>
    } else {
    }
    return
  }
  func.func @transform_0(%arg0: i32) -> (i32, i32) {
    %c0_i32 = arith.constant 0 : i32
    %c0_i32_0 = arith.constant 0 : i32
    %c0_i32_1 = arith.constant 0 : i32
    return %c0_i32, %c0_i32_0 : i32, i32
  }
  func.func @transform_1(%arg0: i32) -> (i32, i32) {
    %min3A = arith.constant 49 : i32
    %min3A_0 = arith.minsi %arg0, %min3A : i32
    %c0_i32 = arith.constant 0 : i32
    %c0_i32_1 = arith.constant 0 : i32
    return %min3A_0, %c0_i32 : i32, i32
  }
  func.func @transform_2(%arg0: i32) -> (i32, i32) {
    %c0_i32 = arith.constant 0 : i32
    %c0_i32_0 = arith.constant 0 : i32
    %c0_i32_1 = arith.constant 0 : i32
    return %c0_i32, %c0_i32_0 : i32, i32
  }
  func.func @transform_3(%arg0: i32) -> (i32, i32) {
    %c0_i32 = arith.constant 0 : i32
    %c0_i32_0 = arith.constant 0 : i32
    %c0_i32_1 = arith.constant 0 : i32
    return %c0_i32, %c0_i32_0 : i32, i32
  }
  func.func @transform_4(%arg0: i32) -> (i32, i32) {
    %c0_i32 = arith.constant 0 : i32
    %c0_i32_0 = arith.constant 0 : i32
    %c0_i32_1 = arith.constant 0 : i32
    return %c0_i32, %c0_i32_0 : i32, i32
  }
}

</mosaic_0001>

<sc_bundles>
// kernel: kernel.4.cloned.1.call-start
scs
__scs_entry_jumppad:
0x0: {  	(pc) =	sbr.rel $0x88, $3  }
0x1: {  	(tag) =	ssettag $0x0;
	lr =	simm.s32 $0x1  }
0x2: {  	[smem:$0x3F9E] =	sst lr;
	_ =	strace $0xD0000000  }
0x3: {  	_ = 	snop  }
0x4: {  	_ = 	snop  }
0x5: {  	_ = 	snop  }
0x6: {  	_ = 	snop  }
0x7: {  	_ = 	snop  }
__scs_overlays_trampoline_lowered:
0x8: {  	[smem:$0x3FAD] =	sst s0  }
0x9: {  	[smem:$0x3FAE] =	sst s1  }
0xa: {  	[smem:$0x3FAF] =	sst s2  }
0xb: {  	[smem:$0x3FB0] =	sst s3  }
0xc: {  	[smem:$0x3FB1] =	sst s4  }
0xd: {  	[smem:$0x3FB2] =	sst s5  }
0xe: {  	[smem:$0x3FB3] =	sst s6  }
0xf: {  	[smem:$0x3FB4] =	sst s7  }
0x10: {  	[smem:$0x3FB5] =	sst s8  }
0x11: {  	[smem:$0x3FB6] =	sst s9;
	s0 =	simm.s32 @!p0 $0x0  }
0x12: {  	s1 =	sld [smem:$0x3F9C];
	s0 =	simm.s32 @p0 $0x1  }
0x13: {  	[smem:$0x3FB7] =	sst s0;
	s0 =	simm.s32 @!p1 $0x0  }
0x14: {  	s2 =	sld [smem:$0x3F9B];
	s0 =	simm.s32 @p1 $0x1  }
0x15: {  	[smem:$0x3FB8] =	sst s0;
	s0 =	simm.s32 @!p2 $0x0  }
0x16: {  	s3 =	sld [smem:$0x3FDB];
	s0 =	simm.s32 @p2 $0x1  }
0x17: {  	s4 =	simm.s32 $0x1BF5;
	[smem:$0x3FBA] =	sst s0  }
0x18: {  	s0 =	sld [smem:$0x3F9D];
	_ =	swait.ge [sflag:s4], $0x0  }
0x19: {  	s7 =	sld [smem:$0x3F9E]  }
0x1a: {  	s8 =	sadd.s32 $0xFFFFE003, lr  }
0x1b: {  	s9 =	sadd.s32 $0xFFFFFEF7, lr;
	s5 =	simm.s32 $0xFFFFFFFF;
	p2 =	slt.u32 s8, $0xFFFFF086  }
0x1c: {  	p1 =	slt.u32 s9, $0xF7A;
	s5 =	simm.s32 @!p2 $0x0  }
0x1d: {  	s5 =	simm.s32 @p1 $0x1;
	p0 =	seq.s32 s7, s2  }
0x1e: {  	s7 =	smul.u32 @!p0 $0xF7A, s2;
	p2 =	seq.s32 @!p0 s5, $0x0  }
0x1f: {  	s9 =	smul.u32 $0xF7A, s1;
	s8 =	simm.s32 @!p0 $0x1BF5;
	p2 =	por !p2, p0  }
0x20: {  	[sflag:s8] =	ssyncset.s32 @!p0 $0xFFFFF086;
	s6 =	sadd.s32 @!p0 s3, s7;
	s7 =	simm.s32 @!p0 $0x108  }
0x21: {  	s3 =	sadd.s32 s3, s9;
	s6 =	sadd.s32 @!p0 $0x88, s6;
	s7 =	simm.s32 @p2 $0x1082  }
0x22: {  	[simem:s7], [sflag:s8] =	dma.local @!p0 [hbm:s6], $0xF7A  }
0x23: {  	s9 =	sor.u32 $0xD0000000, s2;
	s6 =	simm.s32 $0x108;
	_ =	swait.ge @!p0 [sflag:s8], $0x0  }
0x24: {  	s3 =	sadd.s32 $0x88, s3;
	s6 =	simm.s32 @!p1 $0x1082;
	[sflag:s4] =	ssyncset.s32 $0xFFFFF086  }
0x25: {  	[simem:s6], [sflag:s4] =	dma.local [hbm:s3], $0xF7A  }
0x26: {  	[smem:$0x3F9E] =	sst s1;
	(tag) =	ssettag s2;
	_ =	strace s9  }
0x27: {  	s1 =	sld [smem:$0x3FAE]  }
0x28: {  	s2 =	sld [smem:$0x3FAF]  }
0x29: {  	s4 =	sld [smem:$0x3FB1]  }
0x2a: {  	p0 =	seq.s32 s5, $0x0;
	s5 =	sld [smem:$0x3FB2]  }
0x2b: {  	s6 =	sld [smem:$0x3FB3]  }
0x2c: {  	s7 =	sld [smem:$0x3FB4]  }
0x2d: {  	s3 =	simm.s32 $0x108;
	s8 =	sld [smem:$0x3FB5]  }
0x2e: {  	s3 =	simm.s32 @!p0 $0x1082;
	s9 =	sld [smem:$0x3FB6]  }
0x2f: {  	lr =	sadd.s32 s0, s3;
	s0 =	sld [smem:$0x3FAD]  }
0x30: {  	s3 =	sld [smem:$0x3FB0]  }
0x31: {  	[smem:$0x3FB9] =	sst s10  }
0x32: {  	s10 =	sld [smem:$0x3FB7];
	_ =	sdelay $0x3  }
0x33: {  	p0 =	seq.s32 s10, $0x1;
	s10 =	sld [smem:$0x3FB9];
	_ =	sdelay $0x3  }
0x34: {  	[smem:$0x3FB9] =	sst s10  }
0x35: {  	s10 =	sld [smem:$0x3FB8];
	_ =	sdelay $0x3  }
0x36: {  	p1 =	seq.s32 s10, $0x1;
	s10 =	sld [smem:$0x3FB9];
	_ =	sdelay $0x3  }
0x37: {  	[smem:$0x3FB9] =	sst s10  }
0x38: {  	s10 =	sld [smem:$0x3FBA]  }
0x39: {  	_ = 	snop;
	(pc) =	sbr.ind lr, $3  }
0x3a: {  	_ = 	snop  }
0x3b: {  	_ = 	snop  }
0x3c: {  	p2 =	seq.s32 s10, $0x1;
	s10 =	sld [smem:$0x3FB9]  }
0x3d: {  	_ =	shalt  }
0x3e: {  	_ =	shalt  }
0x3f: {  	_ =	shalt  }
0x40: {  	_ =	shalt  }
0x41: {  	_ =	shalt  }
0x42: {  	_ =	shalt  }
0x43: {  	_ =	shalt  }
0x44: {  	_ =	shalt  }
0x45: {  	_ =	shalt  }
0x46: {  	_ =	shalt  }
0x47: {  	_ =	shalt  }
0x48: {  	_ =	shalt  }
0x49: {  	_ =	shalt  }
0x4a: {  	_ =	shalt  }
0x4b: {  	_ =	shalt  }
0x4c: {  	_ =	shalt  }
0x4d: {  	_ =	shalt  }
0x4e: {  	_ =	shalt  }
0x4f: {  	_ =	shalt  }
0x50: {  	_ =	shalt  }
0x51: {  	_ =	shalt  }
0x52: {  	_ =	shalt  }
0x53: {  	_ =	shalt  }
0x54: {  	_ =	shalt  }
0x55: {  	_ =	shalt  }
0x56: {  	_ =	shalt  }
0x57: {  	_ =	shalt  }
0x58: {  	_ =	shalt  }
0x59: {  	_ =	shalt  }
0x5a: {  	_ =	shalt  }
0x5b: {  	_ =	shalt  }
0x5c: {  	_ =	shalt  }
0x5d: {  	_ =	shalt  }
0x5e: {  	_ =	shalt  }
0x5f: {  	_ =	shalt  }
0x60: {  	_ =	shalt  }
0x61: {  	_ =	shalt  }
0x62: {  	_ =	shalt  }
0x63: {  	_ =	shalt  }
0x64: {  	_ =	shalt  }
0x65: {  	_ =	shalt  }
0x66: {  	_ =	shalt  }
0x67: {  	_ =	shalt  }
0x68: {  	_ =	shalt  }
0x69: {  	_ =	shalt  }
0x6a: {  	_ =	shalt  }
0x6b: {  	_ =	shalt  }
0x6c: {  	_ =	shalt  }
0x6d: {  	_ =	shalt  }
0x6e: {  	_ =	shalt  }
0x6f: {  	_ =	shalt  }
0x70: {  	_ =	shalt  }
0x71: {  	_ =	shalt  }
0x72: {  	_ =	shalt  }
0x73: {  	_ =	shalt  }
0x74: {  	_ =	shalt  }
0x75: {  	_ =	shalt  }
0x76: {  	_ =	shalt  }
0x77: {  	_ =	shalt  }
0x78: {  	_ =	shalt  }
0x79: {  	_ =	shalt  }
0x7a: {  	_ =	shalt  }
0x7b: {  	_ =	shalt  }
0x7c: {  	_ =	shalt  }
0x7d: {  	_ =	shalt  }
0x7e: {  	_ =	shalt  }
0x7f: {  	_ =	shalt  }
0x80: {  	_ =	shalt  }
0x81: {  	_ =	shalt  }
0x82: {  	_ =	shalt  }
0x83: {  	_ =	shalt  }
0x84: {  	_ =	shalt  }
0x85: {  	_ =	shalt  }
0x86: {  	_ =	shalt  }
0x87: {  	_ =	shalt  }
.Lfunc_end0:
.L_simem_size_0:
called_computation_lowered:
.L_overlay_start_0:
0x88: {  	s2 =	sld [smem:$0x3FD9]  }
0x89: {  	s3 =	sld [smem:$0x3FFE];
	_ =	sdelay $0x1  }
0x8a: {  	s1 =	srdreg.scid  }
0x8b: {  	s0 =	sand.u32 $0x1, s1  }
0x8c: {  	s16 =	sshll.u32 s0, $0xA;
	s2 =	sadd.s32 s3, s2  }
0x8d: {  	s2 =	sadd.s32 s2, s16  }
0x8e: {  	[smem:$0x3FC5] =	sst s2  }
0x8f: {  	_ = 	snop  }
0x90: {  	(tm) =	ssettm $0x1  }
0x91: {  	s17 =	sld [smem:$0x3FFB];
	_ =	sdelay $0x3  }
0x92: {  	_ =	strace s17  }
0x93: {  	s2 =	sld [smem:$0x3FFC];
	_ =	sdelay $0x3  }
0x94: {  	_ =	strace s2  }
0x95: {  	s2 =	sld [smem:$0x3FFD];
	_ =	sdelay $0x3  }
0x96: {  	_ =	strace s2  }
0x97: {  	_ =	strace $0x8FFFFFFF  }
0x98: {  	s18 =	sld [smem:$0x3FDB];
	_ =	sdelay $0x1  }
0x99: {  	s19 =	simm.s32 $_scs_section_size  }
0x9a: {  	s4 =	simm.s32 $_size__tile_overlayer_lowered;
	s5 =	simm.s32 $_tile_overlayer_lowered  }
0x9b: {  	s22 =	simm.s32 $0x1BFF;
	s21 =	sshll.u32 s5, $0x1;
	s2 =	sadd.s32 s19, s18  }
0x9c: {  	s6 =	simm.s32 $0x0;
	s20 =	sshll.u32 s4, $0x1;
	s4 =	sadd.s32 s21, s2  }
0x9d: {  	[timem:s6], [sflag:s22] =	dma.local [hbm:s4], s20  }
0x9e: {  	_ =	swait.ge [sflag:s22], s20  }
0x9f: {  	s3 =	ssub.s32 $0x0, s20;
	[sflag:s22] =	ssyncset.done $0x0  }
0xa0: {  	[sflag:s22] =	ssyncadd.s32 s3;
	_ =	sdelay $0x1  }
0xa1: {  	s23 =	simm.s32 $0x1B8B  }
0xa2: {  	_ =	swait.ge [sflag:s23], $0x1  }
0xa3: {  	[sflag:s23] =	ssyncset.done $0x0  }
0xa4: {  	s25 =	simm.s32 $0x1B8E;
	s24 =	sld [smem:$0x3FFE];
	[sflag:s23] =	ssyncadd.s32 $0xFFFFFFFF  }
0xa5: {  	s26 =	simm.s32 $execute0_lowered;
	[smem:$0x3FD2] =	sst s25  }
0xa6: {  	s4 =	sshll.u32 s26, $0x1;
	_ =	strace $0x80000046;
	[dreg:$0x1] =	wrdreg $0xFFFFFFFF  }
0xa7: {  	s28 =	simm.s32 $_size_execute0_lowered;
	s2 =	sadd.s32 s2, s4;
	[dreg:$0x0] =	wrdreg $0x0  }
0xa8: {  	s4 =	sshll.u32 s28, $0x1;
	[dreg:$0x2] =	wrdreg s2  }
0xa9: {  	[dreg:$0x3] =	wrdreg s4  }
0xaa: {  	[dreg:$0x4] =	wrdreg $0xC0  }
0xab: {  	_ =	task [dreg:s6], $0x5FFFF  }
0xac: {  	[dreg:$0x1] =	wrdreg $0xFFFFFFFF  }
0xad: {  	[dreg:$0x0] =	wrdreg $0x60  }
0xae: {  	[dreg:$0x2] =	wrdreg s24  }
0xaf: {  	[dreg:$0x3] =	wrdreg $0x9  }
0xb0: {  	_ =	task.clear_ibuf [dreg:s6], $0x4FFFF;
	_ =	strace $0x90000046  }
0xb1: {  	s29 =	simm.s32 $0x9;
	_ =	strace $0x80000048  }
0xb2: {  	_ =	swait.ge [sflag:s29], $0x1  }
0xb3: {  	[sflag:s29] =	ssyncadd.s32 $0xFFFFFFFF  }
0xb4: {  	_ =	strace $0x90000048  }
0xb5: {  	_ =	sfence  }
0xb6: {  	s30 =	sld [smem:$0x0];
	_ =	sdelay $0x2  }
0xb7: {  	s31 =	sshll.u32 s1, $0xD;
	s1 =	sshrl.u32 s1, $0x2  }
0xb8: {  	s3 =	sand.u32 $0x4000, s31;
	s1 =	sadd.s32 s1, s30  }
0xb9: {  	s0 =	sor.u32 s3, s0;
	s1 =	sshll.u32 s1, $0x11  }
0xba: {  	s0 =	sor.u32 s1, s0  }
0xbb: {  	s0 =	sadd.s32 $0x8F2B, s0  }
0xbc: {  	[sflag:s0] =	ssyncadd.remote.s32 $0x1  }
0xbd: {  	_ =	sfence.sel $0xFFFF  }
0xbe: {  	[dreg:$0x0] =	wrdreg $0xFFFFFFFF;
	(pc) =	sbr.abs _section_cstart, $3  }
0xbf: {  	[dreg:$0x1] =	wrdreg $0xFFFFFFFF  }
0xc0: {  	_ =	task.clear_ibuf [dreg:s6], $0x2FFFF;
	_ =	strace $0x9FFFFFFF  }
0xc1: {  	(tm) =	ssettm $0x7FFFFFFF  }
tec
execute0_lowered:
.L_overlay_start_1:
0x0: {  	(tag) =	ssettag $0x1  }
0x1: {  	s1 =	srdreg.scid  }
0x2: {  	s0 =	stileid.u32;
	s9 =	rddreg [dreg:$0x0];
	s6 =	sand.u32 $0x1, s1  }
0x3: {  	s7 =	simm.s32 $0x80;
	s30 =	sshll.u32 s0, $0x6;
	s2 =	sshll.u32 s6, $0x5  }
0x4: {  	s8 =	simm.s32 $0x1;
	s1 =	rddreg [dreg:$0x1];
	s10 =	sor.u32 s2, s30  }
0x5: {  	s5 =	sadd.s32 $0x187600, s9;
	s2 =	simm.s32 $0x0;
	s3 =	sshrl.u32 s10, $0x3  }
0x6: {  	s11 =	ssub.s32 $0x2, s6;
	[smem:$0x7FF] =	sst s2;
	s3 =	sadd.s32 s3, s9  }
0x7: {  	_ =	strace $0x80000047;
	s4 =	sadd.s32 $0xC00, s3;
	s3 =	simm.s32 $0x2  }
0x8: {  	[tilespmem:s2], [sflag:$0x2] =	stream.linear.gather [hbm4b:s4+s2], $0x20, $0x38;
	[tilespmem:$0x1080] =	vst v63  }
0x9: {  	s6 =	simm.s32 $0x20;
	s12 =	sshrl.u32 s11, $0x1;
	_ =	swait.ge [sflag:s3], $0x20  }
0xa: {  	s10 =	sshll.u32 s10, $0x4;
	s31 =	ssub.s32 s11, s12;
	[sflag:s3] =	ssyncset.done $0x0  }
0xb: {  	s9 =	sadd.s32 s10, s9;
	s10 =	smax.u32 s31, $0x1;
	[sflag:s3] =	ssyncadd.s32 $0xFFFFFFE0  }
0xc: {  	[tilespmem:s7], [sflag:$0x1] =	stream.indirect.gather [hbm4b:s5+s6], $0x80, s2, s6, $0xb8;
	[tilespmem:$0x1080] =	vst v63  }
0xd: {  	p0 =	sne.s32 s10, $0x1;
	_ =	swait.ge [sflag:s8], $0x1000  }
.Ltmp0:
0xe: {  	[sflag:s8] =	ssyncset.done $0x0;
	(pc) =	sbr.rel @!p0 .LBB2_2-.Ltmp0, $4  }
0xf: {  	s9 =	sadd.s32 $0xE00, s9;
	[sflag:s8] =	ssyncadd.s32 $0xFFFFF000  }
0x10: {  	[hbm4b:s9+s2] =	stream.linear.scatter [tilespmem:s7], [sflag:$0x2], $0x1000, $0x38;
	[tilespmem:$0x1080] =	vst v63  }
0x11: {  	_ =	swait.ge [sflag:s3], $0x1000  }
0x12: {  	s10 =	sadd.s32 $0xFFFFFFFF, s10;
	[sflag:s3] =	ssyncset.done $0x0  }
.LBB2_1:
0x13: {  	p0 =	sne.s32 s10, $0x1;
	s10 =	sadd.s32 $0xFFFFFFFF, s10;
	[sflag:s3] =	ssyncadd.s32 $0xFFFFF000  }
0x14: {  	[tilespmem:s2], [sflag:$0x2] =	stream.linear.gather [hbm4b:s4+s2], $0x20, $0x38;
	[tilespmem:$0x1080] =	vst v63  }
0x15: {  	_ =	swait.ge [sflag:s3], $0x20  }
0x16: {  	[sflag:s3] =	ssyncset.done $0x0  }
0x17: {  	[sflag:s3] =	ssyncadd.s32 $0xFFFFFFE0  }
0x18: {  	[tilespmem:s7], [sflag:$0x1] =	stream.indirect.gather [hbm4b:s5+s6], $0x80, s2, s6, $0xb8;
	[tilespmem:$0x1080] =	vst v63  }
0x19: {  	_ =	swait.ge [sflag:s8], $0x1000  }
.Ltmp1:
0x1a: {  	[sflag:s8] =	ssyncset.done $0x0;
	(pc) =	sbr.rel @p0 .LBB2_1-.Ltmp1, $4  }
0x1b: {  	[sflag:s8] =	ssyncadd.s32 $0xFFFFF000  }
0x1c: {  	[hbm4b:s9+s2] =	stream.linear.scatter [tilespmem:s7], [sflag:$0x2], $0x1000, $0x38;
	[tilespmem:$0x1080] =	vst v63  }
0x1d: {  	_ =	swait.ge [sflag:s3], $0x1000  }
0x1e: {  	[sflag:s3] =	ssyncset.done $0x0  }
.LBB2_2:
0x1f: {  	[sflag:s3] =	ssyncadd.s32 $0xFFFFF000  }
0x20: {  	_ =	sfence.sel $0x180000  }
0x21: {  	[bflag:$0x0] =	sbarrier.arrive $0xFFFF  }
0x22: {  	p0 =	sne.s32 s0, $0x0;
	_ =	strace $0x90000047  }
0x23: {  	s0 =	sadd.s32 @!p0 $0x100000, s1;
	[bflag:$0x2] =	sbarrier.arrive $0xFFFF  }
0x24: {  	[sflag:s0] =	ssyncadd.tile.s32 @!p0 $0x1;
	_ =	shalt  }
.Lfunc_end2:
_tile_overlayer_lowered:
.L_overlay_start_2:
0x25: {  	(tag) =	ssettag $0x2  }
0x26: {  	s0 =	rddreg [dreg:$0x0];
	s2 =	stileid.u32  }
0x27: {  	s1 =	rddreg [dreg:$0x1];
	p0 =	sne.s32 s2, $0x0  }
0x28: {  	s3 =	rddreg [dreg:$0x2];
	[bflag:$0x3] =	sbarrier.arrive $0xFFFF;
	s2 =	simm.s32 @!p0 $0x1C02  }
0x29: {  	[timem:s3], [sflag:s2] =	dma.local @!p0 [hbm:s0], s1  }
0x2a: {  	s0 =	simm.s32 @!p0 $0x2  }
0x2b: {  	_ =	swait.ge @!p0 [sflag:s0], s1  }
0x2c: {  	s1 =	ssub.s32 @!p0 $0x0, s1;
	[sflag:s0] =	ssyncset.done @!p0 $0x0  }
0x2d: {  	[sflag:s0] =	ssyncadd.s32 @!p0 s1  }
0x2e: {  	[bflag:$0x3] =	sbarrier.arrive $0xFFFF  }
0x2f: {  	_ =	shalt  }

</sc_bundles>
